<compile_context>
chip_gen: v7x
topology: tpu7x:2x2x1
jax: 0.10.2.dev20260603
libtpu: 0.0.44.dev20260713+nightly
codegen_flags: <defaults>
</compile_context>

<pallas_src>
import functools

import jax
import jax.numpy as jnp
from jax import lax
from jax.experimental import pallas as pl
from jax.experimental.pallas import tpu as pltpu
from jax.experimental.pallas import tpu_sc as plsc


E, I, J = 64, 1024, 1024
B, T, K = 1, 8192, 32
N = E * K


def _sc_gather(table, idx):
  info = plsc.get_sparse_core_info()
  nw = info.num_cores * info.num_subcores
  b_per_w = N // nw
  mesh = plsc.VectorSubcoreMesh(core_axis_name="c", subcore_axis_name="s")

  @functools.partial(
      pl.kernel,
      mesh=mesh,
      out_type=jax.ShapeDtypeStruct((N, I), jnp.float32),
      scratch_types=[
          pltpu.VMEM((b_per_w,), jnp.int32),
          pltpu.VMEM((b_per_w, I), jnp.float32),
          pltpu.SemaphoreType.DMA,
          pltpu.SemaphoreType.DMA,
          pltpu.SemaphoreType.DMA,
          pltpu.SemaphoreType.DMA,
      ],
  )
  def k(table_hbm, idx_hbm, out_hbm, idx_v, rows_v, sg0, sg1, sw0, sw1):
    wid = lax.axis_index("s") * info.num_cores + lax.axis_index("c")
    base = wid * b_per_w
    h = b_per_w // 2
    pltpu.sync_copy(idx_hbm.at[pl.ds(base, b_per_w)], idx_v)
    g0 = pltpu.async_copy(
        table_hbm.at[idx_v.at[pl.ds(0, h)]], rows_v.at[pl.ds(0, h)], sg0
    )
    g1 = pltpu.async_copy(
        table_hbm.at[idx_v.at[pl.ds(h, h)]], rows_v.at[pl.ds(h, h)], sg1
    )
    g0.wait()
    w0 = pltpu.async_copy(
        rows_v.at[pl.ds(0, h)], out_hbm.at[pl.ds(base, h)], sw0
    )
    g1.wait()
    w1 = pltpu.async_copy(
        rows_v.at[pl.ds(h, h)], out_hbm.at[pl.ds(base + h, h)], sw1
    )
    w0.wait()
    w1.wait()

  return k(table, idx)


_NBUF = 6


def _mm_body(xg_hbm, w_hbm, out_ref, w_bufs, x_bufs, wsems, xsems):
  t = pl.program_id(0)

  @pl.when(t == 0)
  def _prime():
    for b in range(_NBUF):
      pltpu.make_async_copy(w_hbm.at[b], w_bufs.at[b], wsems.at[b]).start()
      pltpu.make_async_copy(xg_hbm.at[b], x_bufs.at[b], xsems.at[b]).start()

  @pl.when(t > 0)
  def _compute():
    ep = t - 1
    slotp = lax.rem(ep, _NBUF)
    out_ref[0] = jnp.dot(
        x_bufs[slotp], w_bufs[slotp], preferred_element_type=jnp.float32
    )
    nxt = ep + _NBUF

    @pl.when(nxt < E)
    def _refill():
      pltpu.make_async_copy(
          w_hbm.at[nxt], w_bufs.at[slotp], wsems.at[slotp]
      ).start()
      pltpu.make_async_copy(
          xg_hbm.at[nxt], x_bufs.at[slotp], xsems.at[slotp]
      ).start()

  @pl.when(t < E)
  def _await():
    slot = lax.rem(t, _NBUF)
    pltpu.make_async_copy(w_hbm.at[t], w_bufs.at[slot], wsems.at[slot]).wait()
    pltpu.make_async_copy(xg_hbm.at[t], x_bufs.at[slot], xsems.at[slot]).wait()


def _tc_matmul(xg, w):
  return pl.pallas_call(
      _mm_body,
      grid=(E + 1,),
      in_specs=[
          pl.BlockSpec(memory_space=pl.ANY),
          pl.BlockSpec(memory_space=pl.ANY),
      ],
      out_specs=pl.BlockSpec(
          (1, K, J), lambda t: (jnp.maximum(t - 1, 0), 0, 0)
      ),
      out_shape=jax.ShapeDtypeStruct((E, K, J), jnp.float32),
      scratch_shapes=[
          pltpu.VMEM((_NBUF, I, J), jnp.float32),
          pltpu.VMEM((_NBUF, K, I), jnp.float32),
          pltpu.SemaphoreType.DMA((_NBUF,)),
          pltpu.SemaphoreType.DMA((_NBUF,)),
      ],
  )(xg, w)


@jax.jit
def kernel(X, ind, W):
  table = X.reshape(T, I)
  idx = ind.reshape(N).astype(jnp.int32)
  xg = _sc_gather(table, idx)
  y = _tc_matmul(xg.reshape(E, K, I), W)
  return y.reshape(B, E, K, J)

# --- scband reference (transcript-rebuilt; emitter-appended) ---
"""Pipeline reference for scband-expert-gather-60885456388860 (READ-ONLY COPY).

The authoritative reference and input builder live on the scoring server;
editing this copy changes nothing except your own understanding.
"""

import jax, jax.numpy as jnp
import numpy as np
import math

E, I, J = 64, 1024, 1024
B, T, K = 1, 8192, 32

def setup_inputs(seed: int = 0) -> dict:
    key = jax.random.key(seed)
    kx, ki, kw = jax.random.split(key, 3)
    X = jax.random.normal(kx, (B, T, I), dtype=jnp.float32)
    ind = jax.random.randint(ki, (B, E, K), 0, T, dtype=jnp.int64)
    bound = 1.0 / math.sqrt(J)
    W = jax.random.uniform(kw, (E, I, J), dtype=jnp.float32, minval=-bound, maxval=bound)
    return {"X": X, "ind": ind, "W": W}

def reference(X, ind, W):
    B_, T_, I_ = X.shape
    _, E_, K_ = ind.shape
    idx = ind.reshape(B_, E_ * K_)[..., None]  # [B, E*K, 1]
    X_gathered = jnp.take_along_axis(X, idx, axis=1).reshape(B_, E_, K_, I_)
    Y = jnp.einsum('beki,eij->bekj', X_gathered, W)
    return Y

if __name__ == "__main__":
    import jax
    _d = setup_inputs()
    print(jax.jit(kernel)(*tuple(_d.values())))

</pallas_src>

<mosaic_0001>
#map = affine_map<(d0, d1) -> (0, 0)>
#map1 = affine_map<(d0, d1) -> (0)>
module attributes {stable_mosaic.version = 14 : i64} {
  func.func @k(%arg0: i32, %arg1: i32, %arg2: memref<8192x1024xf32, #tpu.memory_space<hbm>>, %arg3: memref<2048xi32, #tpu.memory_space<hbm>>, %arg4: memref<2048x1024xf32, #tpu.memory_space<hbm>>, %arg5: memref<64xi32, #tpu.memory_space<vmem>>, %arg6: memref<64x1024xf32, #tpu.memory_space<vmem>>, %arg7: memref<!tpu.dma_semaphore, #tpu.memory_space<semaphore_mem>>, %arg8: memref<!tpu.dma_semaphore, #tpu.memory_space<semaphore_mem>>, %arg9: memref<!tpu.dma_semaphore, #tpu.memory_space<semaphore_mem>>, %arg10: memref<!tpu.dma_semaphore, #tpu.memory_space<semaphore_mem>>) attributes {dimension_semantics = [#tpu.dimension_semantics<core_parallel>, #tpu.dimension_semantics<subcore_parallel>], iteration_bounds = array<i64: 2, 16>, scalar_prefetch = 0 : i64, scratch_operands = 6 : i64, tpu.core_type = #tpu.core_type<sc_vector_subcore>, window_params = [{transform_indices = #map}, {transform_indices = #map1}, {transform_indices = #map}]} {
    %mul3A = arith.constant 2 : i32
    %mul3A_0 = arith.muli %arg1, %mul3A : i32
    %add3A = arith.addi %mul3A_0, %arg0 : i32
    %mul3A_1 = arith.constant 64 : i32
    %mul3A_2 = arith.muli %add3A, %mul3A_1 : i32
    "tpu.region"() ({
      %run_scoped3A = tpu.sem_alloc : memref<!tpu.dma_semaphore, #tpu.memory_space<semaphore_mem>>
      %dma_start3A_75 = tpu.memref_slice %arg3[%mul3A_2] : memref<2048xi32, #tpu.memory_space<hbm>> -> memref<64xi32, #tpu.memory_space<hbm>>
      %dma_start3A_76 = tpu.memref_slice %arg3[%mul3A_2] : memref<2048xi32, #tpu.memory_space<hbm>> -> memref<64xi32, #tpu.memory_space<hbm>>
      tpu.enqueue_dma source(%dma_start3A_76 : memref<64xi32, #tpu.memory_space<hbm>>) target(%arg5 : memref<64xi32, #tpu.memory_space<vmem>>) target_semaphore(%run_scoped3A : memref<!tpu.dma_semaphore, #tpu.memory_space<semaphore_mem>>)
      %dma_wait3A_77 = tpu.memref_slice %arg3[%mul3A_2] : memref<2048xi32, #tpu.memory_space<hbm>> -> memref<64xi32, #tpu.memory_space<hbm>>
      %dma_wait3A_78 = tpu.memref_slice %arg3[%mul3A_2] : memref<2048xi32, #tpu.memory_space<hbm>> -> memref<64xi32, #tpu.memory_space<hbm>>
      tpu.wait_dma2 semaphore(%run_scoped3A : memref<!tpu.dma_semaphore, #tpu.memory_space<semaphore_mem>>) src(%dma_wait3A_78 : memref<64xi32, #tpu.memory_space<hbm>>) dst(%arg5 : memref<64xi32, #tpu.memory_space<vmem>>)
      tpu.yield
    }) : () -> ()
    %dma_start3A = arith.constant 0 : i32
    %dma_start3A_3 = arith.constant 0 : i32
    %dma_start3A_4 = tpu.memref_slice %arg6[%dma_start3A, %dma_start3A_3] : memref<64x1024xf32, #tpu.memory_space<vmem>> -> memref<32x1024xf32, #tpu.memory_space<vmem>>
    %dma_start3A_5 = arith.constant 0 : i32
    %dma_start3A_6 = tpu.memref_slice %arg5[%dma_start3A_5] : memref<64xi32, #tpu.memory_space<vmem>> -> memref<32xi32, #tpu.memory_space<vmem>>
    %dma_start3A_7 = arith.constant 0 : i32
    %dma_start3A_8 = arith.constant 0 : i32
    %dma_start3A_9 = tpu.memref_slice %arg2[%dma_start3A_7, %dma_start3A_8] : memref<8192x1024xf32, #tpu.memory_space<hbm>> -> memref<8192x1024xf32, #tpu.memory_space<hbm>>
    tpu.enqueue_indirect_dma source(%dma_start3A_9 : memref<8192x1024xf32, #tpu.memory_space<hbm>>) target(%dma_start3A_4 : memref<32x1024xf32, #tpu.memory_space<vmem>>) offsets(%dma_start3A_6 : memref<32xi32, #tpu.memory_space<vmem>>) semaphore(%arg7 : memref<!tpu.dma_semaphore, #tpu.memory_space<semaphore_mem>>)
    %dma_start3A_10 = arith.constant 32 : i32
    %dma_start3A_11 = arith.constant 0 : i32
    %dma_start3A_12 = tpu.memref_slice %arg6[%dma_start3A_10, %dma_start3A_11] : memref<64x1024xf32, #tpu.memory_space<vmem>> -> memref<32x1024xf32, #tpu.memory_space<vmem>>
    %dma_start3A_13 = arith.constant 32 : i32
    %dma_start3A_14 = tpu.memref_slice %arg5[%dma_start3A_13] : memref<64xi32, #tpu.memory_space<vmem>> -> memref<32xi32, #tpu.memory_space<vmem>>
    %dma_start3A_15 = arith.constant 0 : i32
    %dma_start3A_16 = arith.constant 0 : i32
    %dma_start3A_17 = tpu.memref_slice %arg2[%dma_start3A_15, %dma_start3A_16] : memref<8192x1024xf32, #tpu.memory_space<hbm>> -> memref<8192x1024xf32, #tpu.memory_space<hbm>>
    tpu.enqueue_indirect_dma source(%dma_start3A_17 : memref<8192x1024xf32, #tpu.memory_space<hbm>>) target(%dma_start3A_12 : memref<32x1024xf32, #tpu.memory_space<vmem>>) offsets(%dma_start3A_14 : memref<32xi32, #tpu.memory_space<vmem>>) semaphore(%arg8 : memref<!tpu.dma_semaphore, #tpu.memory_space<semaphore_mem>>)
    %dma_wait3A = arith.constant 0 : i32
    %dma_wait3A_18 = arith.constant 0 : i32
    %dma_wait3A_19 = tpu.memref_slice %arg6[%dma_wait3A, %dma_wait3A_18] : memref<64x1024xf32, #tpu.memory_space<vmem>> -> memref<32x1024xf32, #tpu.memory_space<vmem>>
    %dma_wait3A_20 = arith.constant 0 : i32
    %dma_wait3A_21 = tpu.memref_slice %arg5[%dma_wait3A_20] : memref<64xi32, #tpu.memory_space<vmem>> -> memref<32xi32, #tpu.memory_space<vmem>>
    %dma_wait3A_22 = arith.constant 0 : i32
    %dma_wait3A_23 = arith.constant 0 : i32
    %dma_wait3A_24 = tpu.memref_slice %arg2[%dma_wait3A_22, %dma_wait3A_23] : memref<8192x1024xf32, #tpu.memory_space<hbm>> -> memref<8192x1024xf32, #tpu.memory_space<hbm>>
    tpu.wait_indirect_dma semaphore(%arg7 : memref<!tpu.dma_semaphore, #tpu.memory_space<semaphore_mem>>) src(%dma_wait3A_24 : memref<8192x1024xf32, #tpu.memory_space<hbm>>) dst(%dma_wait3A_19 : memref<32x1024xf32, #tpu.memory_space<vmem>>)
    %dma_start3A_25 = arith.constant 0 : i32
    %dma_start3A_26 = arith.constant 0 : i32
    %dma_start3A_27 = tpu.memref_slice %arg6[%dma_start3A_25, %dma_start3A_26] : memref<64x1024xf32, #tpu.memory_space<vmem>> -> memref<32x1024xf32, #tpu.memory_space<vmem>>
    %dma_start3A_28 = arith.constant 0 : i32
    %dma_start3A_29 = tpu.memref_slice %arg4[%mul3A_2, %dma_start3A_28] : memref<2048x1024xf32, #tpu.memory_space<hbm>> -> memref<32x1024xf32, #tpu.memory_space<hbm>>
    %dma_start3A_30 = arith.constant 0 : i32
    %dma_start3A_31 = tpu.memref_slice %arg4[%mul3A_2, %dma_start3A_30] : memref<2048x1024xf32, #tpu.memory_space<hbm>> -> memref<32x1024xf32, #tpu.memory_space<hbm>>
    %dma_start3A_32 = arith.constant 0 : i32
    %dma_start3A_33 = arith.constant 0 : i32
    %dma_start3A_34 = tpu.memref_slice %arg6[%dma_start3A_32, %dma_start3A_33] : memref<64x1024xf32, #tpu.memory_space<vmem>> -> memref<32x1024xf32, #tpu.memory_space<vmem>>
    tpu.enqueue_dma source(%dma_start3A_34 : memref<32x1024xf32, #tpu.memory_space<vmem>>) target(%dma_start3A_31 : memref<32x1024xf32, #tpu.memory_space<hbm>>) target_semaphore(%arg9 : memref<!tpu.dma_semaphore, #tpu.memory_space<semaphore_mem>>)
    %dma_wait3A_35 = arith.constant 32 : i32
    %dma_wait3A_36 = arith.constant 0 : i32
    %dma_wait3A_37 = tpu.memref_slice %arg6[%dma_wait3A_35, %dma_wait3A_36] : memref<64x1024xf32, #tpu.memory_space<vmem>> -> memref<32x1024xf32, #tpu.memory_space<vmem>>
    %dma_wait3A_38 = arith.constant 32 : i32
    %dma_wait3A_39 = tpu.memref_slice %arg5[%dma_wait3A_38] : memref<64xi32, #tpu.memory_space<vmem>> -> memref<32xi32, #tpu.memory_space<vmem>>
    %dma_wait3A_40 = arith.constant 0 : i32
    %dma_wait3A_41 = arith.constant 0 : i32
    %dma_wait3A_42 = tpu.memref_slice %arg2[%dma_wait3A_40, %dma_wait3A_41] : memref<8192x1024xf32, #tpu.memory_space<hbm>> -> memref<8192x1024xf32, #tpu.memory_space<hbm>>
    tpu.wait_indirect_dma semaphore(%arg8 : memref<!tpu.dma_semaphore, #tpu.memory_space<semaphore_mem>>) src(%dma_wait3A_42 : memref<8192x1024xf32, #tpu.memory_space<hbm>>) dst(%dma_wait3A_37 : memref<32x1024xf32, #tpu.memory_space<vmem>>)
    %add3A_43 = arith.constant 32 : i32
    %add3A_44 = arith.addi %mul3A_2, %add3A_43 : i32
    %dma_start3A_45 = arith.constant 32 : i32
    %dma_start3A_46 = arith.constant 0 : i32
    %dma_start3A_47 = tpu.memref_slice %arg6[%dma_start3A_45, %dma_start3A_46] : memref<64x1024xf32, #tpu.memory_space<vmem>> -> memref<32x1024xf32, #tpu.memory_space<vmem>>
    %dma_start3A_48 = arith.constant 0 : i32
    %dma_start3A_49 = tpu.memref_slice %arg4[%add3A_44, %dma_start3A_48] : memref<2048x1024xf32, #tpu.memory_space<hbm>> -> memref<32x1024xf32, #tpu.memory_space<hbm>>
    %dma_start3A_50 = arith.constant 0 : i32
    %dma_start3A_51 = tpu.memref_slice %arg4[%add3A_44, %dma_start3A_50] : memref<2048x1024xf32, #tpu.memory_space<hbm>> -> memref<32x1024xf32, #tpu.memory_space<hbm>>
    %dma_start3A_52 = arith.constant 32 : i32
    %dma_start3A_53 = arith.constant 0 : i32
    %dma_start3A_54 = tpu.memref_slice %arg6[%dma_start3A_52, %dma_start3A_53] : memref<64x1024xf32, #tpu.memory_space<vmem>> -> memref<32x1024xf32, #tpu.memory_space<vmem>>
    tpu.enqueue_dma source(%dma_start3A_54 : memref<32x1024xf32, #tpu.memory_space<vmem>>) target(%dma_start3A_51 : memref<32x1024xf32, #tpu.memory_space<hbm>>) target_semaphore(%arg10 : memref<!tpu.dma_semaphore, #tpu.memory_space<semaphore_mem>>)
    %dma_wait3A_55 = arith.constant 0 : i32
    %dma_wait3A_56 = arith.constant 0 : i32
    %dma_wait3A_57 = tpu.memref_slice %arg6[%dma_wait3A_55, %dma_wait3A_56] : memref<64x1024xf32, #tpu.memory_space<vmem>> -> memref<32x1024xf32, #tpu.memory_space<vmem>>
    %dma_wait3A_58 = arith.constant 0 : i32
    %dma_wait3A_59 = tpu.memref_slice %arg4[%mul3A_2, %dma_wait3A_58] : memref<2048x1024xf32, #tpu.memory_space<hbm>> -> memref<32x1024xf32, #tpu.memory_space<hbm>>
    %dma_wait3A_60 = arith.constant 0 : i32
    %dma_wait3A_61 = tpu.memref_slice %arg4[%mul3A_2, %dma_wait3A_60] : memref<2048x1024xf32, #tpu.memory_space<hbm>> -> memref<32x1024xf32, #tpu.memory_space<hbm>>
    %dma_wait3A_62 = arith.constant 0 : i32
    %dma_wait3A_63 = arith.constant 0 : i32
    %dma_wait3A_64 = tpu.memref_slice %arg6[%dma_wait3A_62, %dma_wait3A_63] : memref<64x1024xf32, #tpu.memory_space<vmem>> -> memref<32x1024xf32, #tpu.memory_space<vmem>>
    tpu.wait_dma2 semaphore(%arg9 : memref<!tpu.dma_semaphore, #tpu.memory_space<semaphore_mem>>) src(%dma_wait3A_64 : memref<32x1024xf32, #tpu.memory_space<vmem>>) dst(%dma_wait3A_61 : memref<32x1024xf32, #tpu.memory_space<hbm>>)
    %dma_wait3A_65 = arith.constant 32 : i32
    %dma_wait3A_66 = arith.constant 0 : i32
    %dma_wait3A_67 = tpu.memref_slice %arg6[%dma_wait3A_65, %dma_wait3A_66] : memref<64x1024xf32, #tpu.memory_space<vmem>> -> memref<32x1024xf32, #tpu.memory_space<vmem>>
    %dma_wait3A_68 = arith.constant 0 : i32
    %dma_wait3A_69 = tpu.memref_slice %arg4[%add3A_44, %dma_wait3A_68] : memref<2048x1024xf32, #tpu.memory_space<hbm>> -> memref<32x1024xf32, #tpu.memory_space<hbm>>
    %dma_wait3A_70 = arith.constant 0 : i32
    %dma_wait3A_71 = tpu.memref_slice %arg4[%add3A_44, %dma_wait3A_70] : memref<2048x1024xf32, #tpu.memory_space<hbm>> -> memref<32x1024xf32, #tpu.memory_space<hbm>>
    %dma_wait3A_72 = arith.constant 32 : i32
    %dma_wait3A_73 = arith.constant 0 : i32
    %dma_wait3A_74 = tpu.memref_slice %arg6[%dma_wait3A_72, %dma_wait3A_73] : memref<64x1024xf32, #tpu.memory_space<vmem>> -> memref<32x1024xf32, #tpu.memory_space<vmem>>
    tpu.wait_dma2 semaphore(%arg10 : memref<!tpu.dma_semaphore, #tpu.memory_space<semaphore_mem>>) src(%dma_wait3A_74 : memref<32x1024xf32, #tpu.memory_space<vmem>>) dst(%dma_wait3A_71 : memref<32x1024xf32, #tpu.memory_space<hbm>>)
    return
  }
}

module attributes {stable_mosaic.version = 14 : i64} {
  func.func @_mm_body(%arg0: i32, %arg1: memref<64x32x1024xf32, #tpu.memory_space<any>>, %arg2: memref<64x1024x1024xf32, #tpu.memory_space<any>>, %arg3: memref<1x32x1024xf32, #tpu.memory_space<vmem>>, %arg4: memref<6x1024x1024xf32, #tpu.memory_space<vmem>>, %arg5: memref<6x32x1024xf32, #tpu.memory_space<vmem>>, %arg6: memref<6x!tpu.dma_semaphore, #tpu.memory_space<semaphore_mem>>, %arg7: memref<6x!tpu.dma_semaphore, #tpu.memory_space<semaphore_mem>>) attributes {dimension_semantics = [#tpu.dimension_semantics<arbitrary>], iteration_bounds = array<i64: 65>, scalar_prefetch = 0 : i64, scratch_operands = 4 : i64, tpu.core_type = #tpu.core_type<tc>, window_params = [{}, {}, {transform_indices = @transform_2, window_bounds = array<i64: 1, 32, 1024>}]} {
    %eq3A = arith.constant 0 : i32
    %eq3A_0 = arith.cmpi eq, %arg0, %eq3A : i32
    %convert_element_type3A = arith.extui %eq3A_0 : i1 to i32
    %cond3A = arith.constant 0 : i32
    %cond3A_1 = arith.cmpi ne, %convert_element_type3A, %cond3A : i32
    scf.if %cond3A_1 {
      %dma_start3A = arith.constant 0 : i32
      %dma_start3A_10 = arith.constant 0 : i32
      %dma_start3A_11 = arith.constant 0 : i32
      %dma_start3A_12 = tpu.memref_slice %arg6[%dma_start3A_11] : memref<6x!tpu.dma_semaphore, #tpu.memory_space<semaphore_mem>> -> memref<1x!tpu.dma_semaphore, #tpu.memory_space<semaphore_mem>>
      %dma_start3A_13 = tpu.memref_squeeze %dma_start3A_12 : memref<1x!tpu.dma_semaphore, #tpu.memory_space<semaphore_mem>> -> memref<!tpu.dma_semaphore, #tpu.memory_space<semaphore_mem>>
      %dma_start3A_14 = arith.constant 0 : i32
      %dma_start3A_15 = arith.constant 0 : i32
      %dma_start3A_16 = tpu.memref_slice %arg4[%dma_start3A_10, %dma_start3A_14, %dma_start3A_15] : memref<6x1024x1024xf32, #tpu.memory_space<vmem>> -> memref<1x1024x1024xf32, #tpu.memory_space<vmem>>
      %dma_start3A_17 = tpu.memref_squeeze %dma_start3A_16 : memref<1x1024x1024xf32, #tpu.memory_space<vmem>> -> memref<1024x1024xf32, #tpu.memory_space<vmem>>
      %dma_start3A_18 = arith.constant 0 : i32
      %dma_start3A_19 = arith.constant 0 : i32
      %dma_start3A_20 = tpu.memref_slice %arg2[%dma_start3A, %dma_start3A_18, %dma_start3A_19] : memref<64x1024x1024xf32, #tpu.memory_space<any>> -> memref<1x1024x1024xf32, #tpu.memory_space<any>>
      %dma_start3A_21 = tpu.memref_squeeze %dma_start3A_20 : memref<1x1024x1024xf32, #tpu.memory_space<any>> -> memref<1024x1024xf32, #tpu.memory_space<any>>
      tpu.enqueue_dma source(%dma_start3A_21 : memref<1024x1024xf32, #tpu.memory_space<any>>) target(%dma_start3A_17 : memref<1024x1024xf32, #tpu.memory_space<vmem>>) target_semaphore(%dma_start3A_13 : memref<!tpu.dma_semaphore, #tpu.memory_space<semaphore_mem>>)
      %dma_start3A_22 = arith.constant 0 : i32
      %dma_start3A_23 = arith.constant 0 : i32
      %dma_start3A_24 = arith.constant 0 : i32
      %dma_start3A_25 = tpu.memref_slice %arg7[%dma_start3A_24] : memref<6x!tpu.dma_semaphore, #tpu.memory_space<semaphore_mem>> -> memref<1x!tpu.dma_semaphore, #tpu.memory_space<semaphore_mem>>
      %dma_start3A_26 = tpu.memref_squeeze %dma_start3A_25 : memref<1x!tpu.dma_semaphore, #tpu.memory_space<semaphore_mem>> -> memref<!tpu.dma_semaphore, #tpu.memory_space<semaphore_mem>>
      %dma_start3A_27 = arith.constant 0 : i32
      %dma_start3A_28 = arith.constant 0 : i32
      %dma_start3A_29 = tpu.memref_slice %arg5[%dma_start3A_23, %dma_start3A_27, %dma_start3A_28] : memref<6x32x1024xf32, #tpu.memory_space<vmem>> -> memref<1x32x1024xf32, #tpu.memory_space<vmem>>
      %dma_start3A_30 = tpu.memref_squeeze %dma_start3A_29 : memref<1x32x1024xf32, #tpu.memory_space<vmem>> -> memref<32x1024xf32, #tpu.memory_space<vmem>>
      %dma_start3A_31 = arith.constant 0 : i32
      %dma_start3A_32 = arith.constant 0 : i32
      %dma_start3A_33 = tpu.memref_slice %arg1[%dma_start3A_22, %dma_start3A_31, %dma_start3A_32] : memref<64x32x1024xf32, #tpu.memory_space<any>> -> memref<1x32x1024xf32, #tpu.memory_space<any>>
      %dma_start3A_34 = tpu.memref_squeeze %dma_start3A_33 : memref<1x32x1024xf32, #tpu.memory_space<any>> -> memref<32x1024xf32, #tpu.memory_space<any>>
      tpu.enqueue_dma source(%dma_start3A_34 : memref<32x1024xf32, #tpu.memory_space<any>>) target(%dma_start3A_30 : memref<32x1024xf32, #tpu.memory_space<vmem>>) target_semaphore(%dma_start3A_26 : memref<!tpu.dma_semaphore, #tpu.memory_space<semaphore_mem>>)
      %dma_start3A_35 = arith.constant 1 : i32
      %dma_start3A_36 = arith.constant 1 : i32
      %dma_start3A_37 = arith.constant 1 : i32
      %dma_start3A_38 = tpu.memref_slice %arg6[%dma_start3A_37] : memref<6x!tpu.dma_semaphore, #tpu.memory_space<semaphore_mem>> -> memref<1x!tpu.dma_semaphore, #tpu.memory_space<semaphore_mem>>
      %dma_start3A_39 = tpu.memref_squeeze %dma_start3A_38 : memref<1x!tpu.dma_semaphore, #tpu.memory_space<semaphore_mem>> -> memref<!tpu.dma_semaphore, #tpu.memory_space<semaphore_mem>>
      %dma_start3A_40 = arith.constant 0 : i32
      %dma_start3A_41 = arith.constant 0 : i32
      %dma_start3A_42 = tpu.memref_slice %arg4[%dma_start3A_36, %dma_start3A_40, %dma_start3A_41] : memref<6x1024x1024xf32, #tpu.memory_space<vmem>> -> memref<1x1024x1024xf32, #tpu.memory_space<vmem>>
      %dma_start3A_43 = tpu.memref_squeeze %dma_start3A_42 : memref<1x1024x1024xf32, #tpu.memory_space<vmem>> -> memref<1024x1024xf32, #tpu.memory_space<vmem>>
      %dma_start3A_44 = arith.constant 0 : i32
      %dma_start3A_45 = arith.constant 0 : i32
      %dma_start3A_46 = tpu.memref_slice %arg2[%dma_start3A_35, %dma_start3A_44, %dma_start3A_45] : memref<64x1024x1024xf32, #tpu.memory_space<any>> -> memref<1x1024x1024xf32, #tpu.memory_space<any>>
      %dma_start3A_47 = tpu.memref_squeeze %dma_start3A_46 : memref<1x1024x1024xf32, #tpu.memory_space<any>> -> memref<1024x1024xf32, #tpu.memory_space<any>>
      tpu.enqueue_dma source(%dma_start3A_47 : memref<1024x1024xf32, #tpu.memory_space<any>>) target(%dma_start3A_43 : memref<1024x1024xf32, #tpu.memory_space<vmem>>) target_semaphore(%dma_start3A_39 : memref<!tpu.dma_semaphore, #tpu.memory_space<semaphore_mem>>)
      %dma_start3A_48 = arith.constant 1 : i32
      %dma_start3A_49 = arith.constant 1 : i32
      %dma_start3A_50 = arith.constant 1 : i32
      %dma_start3A_51 = tpu.memref_slice %arg7[%dma_start3A_50] : memref<6x!tpu.dma_semaphore, #tpu.memory_space<semaphore_mem>> -> memref<1x!tpu.dma_semaphore, #tpu.memory_space<semaphore_mem>>
      %dma_start3A_52 = tpu.memref_squeeze %dma_start3A_51 : memref<1x!tpu.dma_semaphore, #tpu.memory_space<semaphore_mem>> -> memref<!tpu.dma_semaphore, #tpu.memory_space<semaphore_mem>>
      %dma_start3A_53 = arith.constant 0 : i32
      %dma_start3A_54 = arith.constant 0 : i32
      %dma_start3A_55 = tpu.memref_slice %arg5[%dma_start3A_49, %dma_start3A_53, %dma_start3A_54] : memref<6x32x1024xf32, #tpu.memory_space<vmem>> -> memref<1x32x1024xf32, #tpu.memory_space<vmem>>
      %dma_start3A_56 = tpu.memref_squeeze %dma_start3A_55 : memref<1x32x1024xf32, #tpu.memory_space<vmem>> -> memref<32x1024xf32, #tpu.memory_space<vmem>>
      %dma_start3A_57 = arith.constant 0 : i32
      %dma_start3A_58 = arith.constant 0 : i32
      %dma_start3A_59 = tpu.memref_slice %arg1[%dma_start3A_48, %dma_start3A_57, %dma_start3A_58] : memref<64x32x1024xf32, #tpu.memory_space<any>> -> memref<1x32x1024xf32, #tpu.memory_space<any>>
      %dma_start3A_60 = tpu.memref_squeeze %dma_start3A_59 : memref<1x32x1024xf32, #tpu.memory_space<any>> -> memref<32x1024xf32, #tpu.memory_space<any>>
      tpu.enqueue_dma source(%dma_start3A_60 : memref<32x1024xf32, #tpu.memory_space<any>>) target(%dma_start3A_56 : memref<32x1024xf32, #tpu.memory_space<vmem>>) target_semaphore(%dma_start3A_52 : memref<!tpu.dma_semaphore, #tpu.memory_space<semaphore_mem>>)
      %dma_start3A_61 = arith.constant 2 : i32
      %dma_start3A_62 = arith.constant 2 : i32
      %dma_start3A_63 = arith.constant 2 : i32
      %dma_start3A_64 = tpu.memref_slice %arg6[%dma_start3A_63] : memref<6x!tpu.dma_semaphore, #tpu.memory_space<semaphore_mem>> -> memref<1x!tpu.dma_semaphore, #tpu.memory_space<semaphore_mem>>
      %dma_start3A_65 = tpu.memref_squeeze %dma_start3A_64 : memref<1x!tpu.dma_semaphore, #tpu.memory_space<semaphore_mem>> -> memref<!tpu.dma_semaphore, #tpu.memory_space<semaphore_mem>>
      %dma_start3A_66 = arith.constant 0 : i32
      %dma_start3A_67 = arith.constant 0 : i32
      %dma_start3A_68 = tpu.memref_slice %arg4[%dma_start3A_62, %dma_start3A_66, %dma_start3A_67] : memref<6x1024x1024xf32, #tpu.memory_space<vmem>> -> memref<1x1024x1024xf32, #tpu.memory_space<vmem>>
      %dma_start3A_69 = tpu.memref_squeeze %dma_start3A_68 : memref<1x1024x1024xf32, #tpu.memory_space<vmem>> -> memref<1024x1024xf32, #tpu.memory_space<vmem>>
      %dma_start3A_70 = arith.constant 0 : i32
      %dma_start3A_71 = arith.constant 0 : i32
      %dma_start3A_72 = tpu.memref_slice %arg2[%dma_start3A_61, %dma_start3A_70, %dma_start3A_71] : memref<64x1024x1024xf32, #tpu.memory_space<any>> -> memref<1x1024x1024xf32, #tpu.memory_space<any>>
      %dma_start3A_73 = tpu.memref_squeeze %dma_start3A_72 : memref<1x1024x1024xf32, #tpu.memory_space<any>> -> memref<1024x1024xf32, #tpu.memory_space<any>>
      tpu.enqueue_dma source(%dma_start3A_73 : memref<1024x1024xf32, #tpu.memory_space<any>>) target(%dma_start3A_69 : memref<1024x1024xf32, #tpu.memory_space<vmem>>) target_semaphore(%dma_start3A_65 : memref<!tpu.dma_semaphore, #tpu.memory_space<semaphore_mem>>)
      %dma_start3A_74 = arith.constant 2 : i32
      %dma_start3A_75 = arith.constant 2 : i32
      %dma_start3A_76 = arith.constant 2 : i32
      %dma_start3A_77 = tpu.memref_slice %arg7[%dma_start3A_76] : memref<6x!tpu.dma_semaphore, #tpu.memory_space<semaphore_mem>> -> memref<1x!tpu.dma_semaphore, #tpu.memory_space<semaphore_mem>>
      %dma_start3A_78 = tpu.memref_squeeze %dma_start3A_77 : memref<1x!tpu.dma_semaphore, #tpu.memory_space<semaphore_mem>> -> memref<!tpu.dma_semaphore, #tpu.memory_space<semaphore_mem>>
      %dma_start3A_79 = arith.constant 0 : i32
      %dma_start3A_80 = arith.constant 0 : i32
      %dma_start3A_81 = tpu.memref_slice %arg5[%dma_start3A_75, %dma_start3A_79, %dma_start3A_80] : memref<6x32x1024xf32, #tpu.memory_space<vmem>> -> memref<1x32x1024xf32, #tpu.memory_space<vmem>>
      %dma_start3A_82 = tpu.memref_squeeze %dma_start3A_81 : memref<1x32x1024xf32, #tpu.memory_space<vmem>> -> memref<32x1024xf32, #tpu.memory_space<vmem>>
      %dma_start3A_83 = arith.constant 0 : i32
      %dma_start3A_84 = arith.constant 0 : i32
      %dma_start3A_85 = tpu.memref_slice %arg1[%dma_start3A_74, %dma_start3A_83, %dma_start3A_84] : memref<64x32x1024xf32, #tpu.memory_space<any>> -> memref<1x32x1024xf32, #tpu.memory_space<any>>
      %dma_start3A_86 = tpu.memref_squeeze %dma_start3A_85 : memref<1x32x1024xf32, #tpu.memory_space<any>> -> memref<32x1024xf32, #tpu.memory_space<any>>
      tpu.enqueue_dma source(%dma_start3A_86 : memref<32x1024xf32, #tpu.memory_space<any>>) target(%dma_start3A_82 : memref<32x1024xf32, #tpu.memory_space<vmem>>) target_semaphore(%dma_start3A_78 : memref<!tpu.dma_semaphore, #tpu.memory_space<semaphore_mem>>)
      %dma_start3A_87 = arith.constant 3 : i32
      %dma_start3A_88 = arith.constant 3 : i32
      %dma_start3A_89 = arith.constant 3 : i32
      %dma_start3A_90 = tpu.memref_slice %arg6[%dma_start3A_89] : memref<6x!tpu.dma_semaphore, #tpu.memory_space<semaphore_mem>> -> memref<1x!tpu.dma_semaphore, #tpu.memory_space<semaphore_mem>>
      %dma_start3A_91 = tpu.memref_squeeze %dma_start3A_90 : memref<1x!tpu.dma_semaphore, #tpu.memory_space<semaphore_mem>> -> memref<!tpu.dma_semaphore, #tpu.memory_space<semaphore_mem>>
      %dma_start3A_92 = arith.constant 0 : i32
      %dma_start3A_93 = arith.constant 0 : i32
      %dma_start3A_94 = tpu.memref_slice %arg4[%dma_start3A_88, %dma_start3A_92, %dma_start3A_93] : memref<6x1024x1024xf32, #tpu.memory_space<vmem>> -> memref<1x1024x1024xf32, #tpu.memory_space<vmem>>
      %dma_start3A_95 = tpu.memref_squeeze %dma_start3A_94 : memref<1x1024x1024xf32, #tpu.memory_space<vmem>> -> memref<1024x1024xf32, #tpu.memory_space<vmem>>
      %dma_start3A_96 = arith.constant 0 : i32
      %dma_start3A_97 = arith.constant 0 : i32
      %dma_start3A_98 = tpu.memref_slice %arg2[%dma_start3A_87, %dma_start3A_96, %dma_start3A_97] : memref<64x1024x1024xf32, #tpu.memory_space<any>> -> memref<1x1024x1024xf32, #tpu.memory_space<any>>
      %dma_start3A_99 = tpu.memref_squeeze %dma_start3A_98 : memref<1x1024x1024xf32, #tpu.memory_space<any>> -> memref<1024x1024xf32, #tpu.memory_space<any>>
      tpu.enqueue_dma source(%dma_start3A_99 : memref<1024x1024xf32, #tpu.memory_space<any>>) target(%dma_start3A_95 : memref<1024x1024xf32, #tpu.memory_space<vmem>>) target_semaphore(%dma_start3A_91 : memref<!tpu.dma_semaphore, #tpu.memory_space<semaphore_mem>>)
      %dma_start3A_100 = arith.constant 3 : i32
      %dma_start3A_101 = arith.constant 3 : i32
      %dma_start3A_102 = arith.constant 3 : i32
      %dma_start3A_103 = tpu.memref_slice %arg7[%dma_start3A_102] : memref<6x!tpu.dma_semaphore, #tpu.memory_space<semaphore_mem>> -> memref<1x!tpu.dma_semaphore, #tpu.memory_space<semaphore_mem>>
      %dma_start3A_104 = tpu.memref_squeeze %dma_start3A_103 : memref<1x!tpu.dma_semaphore, #tpu.memory_space<semaphore_mem>> -> memref<!tpu.dma_semaphore, #tpu.memory_space<semaphore_mem>>
      %dma_start3A_105 = arith.constant 0 : i32
      %dma_start3A_106 = arith.constant 0 : i32
      %dma_start3A_107 = tpu.memref_slice %arg5[%dma_start3A_101, %dma_start3A_105, %dma_start3A_106] : memref<6x32x1024xf32, #tpu.memory_space<vmem>> -> memref<1x32x1024xf32, #tpu.memory_space<vmem>>
      %dma_start3A_108 = tpu.memref_squeeze %dma_start3A_107 : memref<1x32x1024xf32, #tpu.memory_space<vmem>> -> memref<32x1024xf32, #tpu.memory_space<vmem>>
      %dma_start3A_109 = arith.constant 0 : i32
      %dma_start3A_110 = arith.constant 0 : i32
      %dma_start3A_111 = tpu.memref_slice %arg1[%dma_start3A_100, %dma_start3A_109, %dma_start3A_110] : memref<64x32x1024xf32, #tpu.memory_space<any>> -> memref<1x32x1024xf32, #tpu.memory_space<any>>
      %dma_start3A_112 = tpu.memref_squeeze %dma_start3A_111 : memref<1x32x1024xf32, #tpu.memory_space<any>> -> memref<32x1024xf32, #tpu.memory_space<any>>
      tpu.enqueue_dma source(%dma_start3A_112 : memref<32x1024xf32, #tpu.memory_space<any>>) target(%dma_start3A_108 : memref<32x1024xf32, #tpu.memory_space<vmem>>) target_semaphore(%dma_start3A_104 : memref<!tpu.dma_semaphore, #tpu.memory_space<semaphore_mem>>)
      %dma_start3A_113 = arith.constant 4 : i32
      %dma_start3A_114 = arith.constant 4 : i32
      %dma_start3A_115 = arith.constant 4 : i32
      %dma_start3A_116 = tpu.memref_slice %arg6[%dma_start3A_115] : memref<6x!tpu.dma_semaphore, #tpu.memory_space<semaphore_mem>> -> memref<1x!tpu.dma_semaphore, #tpu.memory_space<semaphore_mem>>
      %dma_start3A_117 = tpu.memref_squeeze %dma_start3A_116 : memref<1x!tpu.dma_semaphore, #tpu.memory_space<semaphore_mem>> -> memref<!tpu.dma_semaphore, #tpu.memory_space<semaphore_mem>>
      %dma_start3A_118 = arith.constant 0 : i32
      %dma_start3A_119 = arith.constant 0 : i32
      %dma_start3A_120 = tpu.memref_slice %arg4[%dma_start3A_114, %dma_start3A_118, %dma_start3A_119] : memref<6x1024x1024xf32, #tpu.memory_space<vmem>> -> memref<1x1024x1024xf32, #tpu.memory_space<vmem>>
      %dma_start3A_121 = tpu.memref_squeeze %dma_start3A_120 : memref<1x1024x1024xf32, #tpu.memory_space<vmem>> -> memref<1024x1024xf32, #tpu.memory_space<vmem>>
      %dma_start3A_122 = arith.constant 0 : i32
      %dma_start3A_123 = arith.constant 0 : i32
      %dma_start3A_124 = tpu.memref_slice %arg2[%dma_start3A_113, %dma_start3A_122, %dma_start3A_123] : memref<64x1024x1024xf32, #tpu.memory_space<any>> -> memref<1x1024x1024xf32, #tpu.memory_space<any>>
      %dma_start3A_125 = tpu.memref_squeeze %dma_start3A_124 : memref<1x1024x1024xf32, #tpu.memory_space<any>> -> memref<1024x1024xf32, #tpu.memory_space<any>>
      tpu.enqueue_dma source(%dma_start3A_125 : memref<1024x1024xf32, #tpu.memory_space<any>>) target(%dma_start3A_121 : memref<1024x1024xf32, #tpu.memory_space<vmem>>) target_semaphore(%dma_start3A_117 : memref<!tpu.dma_semaphore, #tpu.memory_space<semaphore_mem>>)
      %dma_start3A_126 = arith.constant 4 : i32
      %dma_start3A_127 = arith.constant 4 : i32
      %dma_start3A_128 = arith.constant 4 : i32
      %dma_start3A_129 = tpu.memref_slice %arg7[%dma_start3A_128] : memref<6x!tpu.dma_semaphore, #tpu.memory_space<semaphore_mem>> -> memref<1x!tpu.dma_semaphore, #tpu.memory_space<semaphore_mem>>
      %dma_start3A_130 = tpu.memref_squeeze %dma_start3A_129 : memref<1x!tpu.dma_semaphore, #tpu.memory_space<semaphore_mem>> -> memref<!tpu.dma_semaphore, #tpu.memory_space<semaphore_mem>>
      %dma_start3A_131 = arith.constant 0 : i32
      %dma_start3A_132 = arith.constant 0 : i32
      %dma_start3A_133 = tpu.memref_slice %arg5[%dma_start3A_127, %dma_start3A_131, %dma_start3A_132] : memref<6x32x1024xf32, #tpu.memory_space<vmem>> -> memref<1x32x1024xf32, #tpu.memory_space<vmem>>
      %dma_start3A_134 = tpu.memref_squeeze %dma_start3A_133 : memref<1x32x1024xf32, #tpu.memory_space<vmem>> -> memref<32x1024xf32, #tpu.memory_space<vmem>>
      %dma_start3A_135 = arith.constant 0 : i32
      %dma_start3A_136 = arith.constant 0 : i32
      %dma_start3A_137 = tpu.memref_slice %arg1[%dma_start3A_126, %dma_start3A_135, %dma_start3A_136] : memref<64x32x1024xf32, #tpu.memory_space<any>> -> memref<1x32x1024xf32, #tpu.memory_space<any>>
      %dma_start3A_138 = tpu.memref_squeeze %dma_start3A_137 : memref<1x32x1024xf32, #tpu.memory_space<any>> -> memref<32x1024xf32, #tpu.memory_space<any>>
      tpu.enqueue_dma source(%dma_start3A_138 : memref<32x1024xf32, #tpu.memory_space<any>>) target(%dma_start3A_134 : memref<32x1024xf32, #tpu.memory_space<vmem>>) target_semaphore(%dma_start3A_130 : memref<!tpu.dma_semaphore, #tpu.memory_space<semaphore_mem>>)
      %dma_start3A_139 = arith.constant 5 : i32
      %dma_start3A_140 = arith.constant 5 : i32
      %dma_start3A_141 = arith.constant 5 : i32
      %dma_start3A_142 = tpu.memref_slice %arg6[%dma_start3A_141] : memref<6x!tpu.dma_semaphore, #tpu.memory_space<semaphore_mem>> -> memref<1x!tpu.dma_semaphore, #tpu.memory_space<semaphore_mem>>
      %dma_start3A_143 = tpu.memref_squeeze %dma_start3A_142 : memref<1x!tpu.dma_semaphore, #tpu.memory_space<semaphore_mem>> -> memref<!tpu.dma_semaphore, #tpu.memory_space<semaphore_mem>>
      %dma_start3A_144 = arith.constant 0 : i32
      %dma_start3A_145 = arith.constant 0 : i32
      %dma_start3A_146 = tpu.memref_slice %arg4[%dma_start3A_140, %dma_start3A_144, %dma_start3A_145] : memref<6x1024x1024xf32, #tpu.memory_space<vmem>> -> memref<1x1024x1024xf32, #tpu.memory_space<vmem>>
      %dma_start3A_147 = tpu.memref_squeeze %dma_start3A_146 : memref<1x1024x1024xf32, #tpu.memory_space<vmem>> -> memref<1024x1024xf32, #tpu.memory_space<vmem>>
      %dma_start3A_148 = arith.constant 0 : i32
      %dma_start3A_149 = arith.constant 0 : i32
      %dma_start3A_150 = tpu.memref_slice %arg2[%dma_start3A_139, %dma_start3A_148, %dma_start3A_149] : memref<64x1024x1024xf32, #tpu.memory_space<any>> -> memref<1x1024x1024xf32, #tpu.memory_space<any>>
      %dma_start3A_151 = tpu.memref_squeeze %dma_start3A_150 : memref<1x1024x1024xf32, #tpu.memory_space<any>> -> memref<1024x1024xf32, #tpu.memory_space<any>>
      tpu.enqueue_dma source(%dma_start3A_151 : memref<1024x1024xf32, #tpu.memory_space<any>>) target(%dma_start3A_147 : memref<1024x1024xf32, #tpu.memory_space<vmem>>) target_semaphore(%dma_start3A_143 : memref<!tpu.dma_semaphore, #tpu.memory_space<semaphore_mem>>)
      %dma_start3A_152 = arith.constant 5 : i32
      %dma_start3A_153 = arith.constant 5 : i32
      %dma_start3A_154 = arith.constant 5 : i32
      %dma_start3A_155 = tpu.memref_slice %arg7[%dma_start3A_154] : memref<6x!tpu.dma_semaphore, #tpu.memory_space<semaphore_mem>> -> memref<1x!tpu.dma_semaphore, #tpu.memory_space<semaphore_mem>>
      %dma_start3A_156 = tpu.memref_squeeze %dma_start3A_155 : memref<1x!tpu.dma_semaphore, #tpu.memory_space<semaphore_mem>> -> memref<!tpu.dma_semaphore, #tpu.memory_space<semaphore_mem>>
      %dma_start3A_157 = arith.constant 0 : i32
      %dma_start3A_158 = arith.constant 0 : i32
      %dma_start3A_159 = tpu.memref_slice %arg5[%dma_start3A_153, %dma_start3A_157, %dma_start3A_158] : memref<6x32x1024xf32, #tpu.memory_space<vmem>> -> memref<1x32x1024xf32, #tpu.memory_space<vmem>>
      %dma_start3A_160 = tpu.memref_squeeze %dma_start3A_159 : memref<1x32x1024xf32, #tpu.memory_space<vmem>> -> memref<32x1024xf32, #tpu.memory_space<vmem>>
      %dma_start3A_161 = arith.constant 0 : i32
      %dma_start3A_162 = arith.constant 0 : i32
      %dma_start3A_163 = tpu.memref_slice %arg1[%dma_start3A_152, %dma_start3A_161, %dma_start3A_162] : memref<64x32x1024xf32, #tpu.memory_space<any>> -> memref<1x32x1024xf32, #tpu.memory_space<any>>
      %dma_start3A_164 = tpu.memref_squeeze %dma_start3A_163 : memref<1x32x1024xf32, #tpu.memory_space<any>> -> memref<32x1024xf32, #tpu.memory_space<any>>
      tpu.enqueue_dma source(%dma_start3A_164 : memref<32x1024xf32, #tpu.memory_space<any>>) target(%dma_start3A_160 : memref<32x1024xf32, #tpu.memory_space<vmem>>) target_semaphore(%dma_start3A_156 : memref<!tpu.dma_semaphore, #tpu.memory_space<semaphore_mem>>)
    } else {
    }
    %gt3A = arith.constant 0 : i32
    %gt3A_2 = arith.cmpi sgt, %arg0, %gt3A : i32
    %convert_element_type3A_3 = arith.extui %gt3A_2 : i1 to i32
    %cond3A_4 = arith.constant 0 : i32
    %cond3A_5 = arith.cmpi ne, %convert_element_type3A_3, %cond3A_4 : i32
    scf.if %cond3A_5 {
      %sub3A = arith.constant 1 : i32
      %sub3A_10 = arith.subi %arg0, %sub3A : i32
      %rem3A = arith.constant 6 : i32
      %rem3A_11 = arith.remsi %sub3A_10, %rem3A : i32
      %get3A = arith.index_cast %rem3A_11 : i32 to index
      %get3A_12 = arith.constant 0 : index
      %get3A_13 = arith.constant 0 : index
      %get3A_14 = vector.load %arg5[%get3A, %get3A_12, %get3A_13] : memref<6x32x1024xf32, #tpu.memory_space<vmem>>, vector<1x32x1024xf32>
      %get3A_15 = vector.shape_cast %get3A_14 : vector<1x32x1024xf32> to vector<32x1024xf32>
      %get3A_16 = arith.index_cast %rem3A_11 : i32 to index
      %get3A_17 = arith.constant 0 : index
      %get3A_18 = arith.constant 0 : index
      %get3A_19 = vector.load %arg4[%get3A_16, %get3A_17, %get3A_18] : memref<6x1024x1024xf32, #tpu.memory_space<vmem>>, vector<1x1024x1024xf32>
      %get3A_20 = vector.shape_cast %get3A_19 : vector<1x1024x1024xf32> to vector<1024x1024xf32>
      %dot_general3A = arith.constant dense<0.000000e+00> : vector<32x1024xf32>
      %dot_general3A_21 = tpu.matmul %get3A_15, %get3A_20, %dot_general3A {dimension_numbers = #tpu.dot_dimension_numbers<[1], [0], [0], [1], [0, 0, 1, 1], [], []>, transpose_lhs_hint = false} : vector<32x1024xf32>, vector<1024x1024xf32>, vector<32x1024xf32> -> vector<32x1024xf32>
      %swap3A = arith.constant 0 : index
      %swap3A_22 = arith.constant 0 : index
      %swap3A_23 = arith.constant 0 : index
      %swap3A_24 = vector.load %arg3[%swap3A, %swap3A_22, %swap3A_23] : memref<1x32x1024xf32, #tpu.memory_space<vmem>>, vector<1x32x1024xf32>
      %swap3A_25 = vector.shape_cast %swap3A_24 : vector<1x32x1024xf32> to vector<32x1024xf32>
      %swap3A_26 = vector.shape_cast %dot_general3A_21 : vector<32x1024xf32> to vector<1x32x1024xf32>
      tpu.vector_store %arg3[%swap3A, %swap3A_22, %swap3A_23], %swap3A_26 {strides = array<i32>} : memref<1x32x1024xf32, #tpu.memory_space<vmem>>, vector<1x32x1024xf32>,
      %add3A = arith.constant 6 : i32
      %add3A_27 = arith.addi %sub3A_10, %add3A : i32
      %lt3A_28 = arith.constant 64 : i32
      %lt3A_29 = arith.cmpi slt, %add3A_27, %lt3A_28 : i32
      %convert_element_type3A_30 = arith.extui %lt3A_29 : i1 to i32
      %cond3A_31 = arith.constant 0 : i32
      %cond3A_32 = arith.cmpi ne, %convert_element_type3A_30, %cond3A_31 : i32
      scf.if %cond3A_32 {
        %dma_start3A = tpu.memref_slice %arg6[%rem3A_11] : memref<6x!tpu.dma_semaphore, #tpu.memory_space<semaphore_mem>> -> memref<1x!tpu.dma_semaphore, #tpu.memory_space<semaphore_mem>>
        %dma_start3A_33 = tpu.memref_squeeze %dma_start3A : memref<1x!tpu.dma_semaphore, #tpu.memory_space<semaphore_mem>> -> memref<!tpu.dma_semaphore, #tpu.memory_space<semaphore_mem>>
        %dma_start3A_34 = arith.constant 0 : i32
        %dma_start3A_35 = arith.constant 0 : i32
        %dma_start3A_36 = tpu.memref_slice %arg4[%rem3A_11, %dma_start3A_34, %dma_start3A_35] : memref<6x1024x1024xf32, #tpu.memory_space<vmem>> -> memref<1x1024x1024xf32, #tpu.memory_space<vmem>>
        %dma_start3A_37 = tpu.memref_squeeze %dma_start3A_36 : memref<1x1024x1024xf32, #tpu.memory_space<vmem>> -> memref<1024x1024xf32, #tpu.memory_space<vmem>>
        %dma_start3A_38 = arith.constant 0 : i32
        %dma_start3A_39 = arith.constant 0 : i32
        %dma_start3A_40 = tpu.memref_slice %arg2[%add3A_27, %dma_start3A_38, %dma_start3A_39] : memref<64x1024x1024xf32, #tpu.memory_space<any>> -> memref<1x1024x1024xf32, #tpu.memory_space<any>>
        %dma_start3A_41 = tpu.memref_squeeze %dma_start3A_40 : memref<1x1024x1024xf32, #tpu.memory_space<any>> -> memref<1024x1024xf32, #tpu.memory_space<any>>
        tpu.enqueue_dma source(%dma_start3A_41 : memref<1024x1024xf32, #tpu.memory_space<any>>) target(%dma_start3A_37 : memref<1024x1024xf32, #tpu.memory_space<vmem>>) target_semaphore(%dma_start3A_33 : memref<!tpu.dma_semaphore, #tpu.memory_space<semaphore_mem>>)
        %dma_start3A_42 = tpu.memref_slice %arg7[%rem3A_11] : memref<6x!tpu.dma_semaphore, #tpu.memory_space<semaphore_mem>> -> memref<1x!tpu.dma_semaphore, #tpu.memory_space<semaphore_mem>>
        %dma_start3A_43 = tpu.memref_squeeze %dma_start3A_42 : memref<1x!tpu.dma_semaphore, #tpu.memory_space<semaphore_mem>> -> memref<!tpu.dma_semaphore, #tpu.memory_space<semaphore_mem>>
        %dma_start3A_44 = arith.constant 0 : i32
        %dma_start3A_45 = arith.constant 0 : i32
        %dma_start3A_46 = tpu.memref_slice %arg5[%rem3A_11, %dma_start3A_44, %dma_start3A_45] : memref<6x32x1024xf32, #tpu.memory_space<vmem>> -> memref<1x32x1024xf32, #tpu.memory_space<vmem>>
        %dma_start3A_47 = tpu.memref_squeeze %dma_start3A_46 : memref<1x32x1024xf32, #tpu.memory_space<vmem>> -> memref<32x1024xf32, #tpu.memory_space<vmem>>
        %dma_start3A_48 = arith.constant 0 : i32
        %dma_start3A_49 = arith.constant 0 : i32
        %dma_start3A_50 = tpu.memref_slice %arg1[%add3A_27, %dma_start3A_48, %dma_start3A_49] : memref<64x32x1024xf32, #tpu.memory_space<any>> -> memref<1x32x1024xf32, #tpu.memory_space<any>>
        %dma_start3A_51 = tpu.memref_squeeze %dma_start3A_50 : memref<1x32x1024xf32, #tpu.memory_space<any>> -> memref<32x1024xf32, #tpu.memory_space<any>>
        tpu.enqueue_dma source(%dma_start3A_51 : memref<32x1024xf32, #tpu.memory_space<any>>) target(%dma_start3A_47 : memref<32x1024xf32, #tpu.memory_space<vmem>>) target_semaphore(%dma_start3A_43 : memref<!tpu.dma_semaphore, #tpu.memory_space<semaphore_mem>>)
      } else {
      }
    } else {
    }
    %lt3A = arith.constant 64 : i32
    %lt3A_6 = arith.cmpi slt, %arg0, %lt3A : i32
    %convert_element_type3A_7 = arith.extui %lt3A_6 : i1 to i32
    %cond3A_8 = arith.constant 0 : i32
    %cond3A_9 = arith.cmpi ne, %convert_element_type3A_7, %cond3A_8 : i32
    scf.if %cond3A_9 {
      %rem3A = arith.constant 6 : i32
      %rem3A_10 = arith.remsi %arg0, %rem3A : i32
      %dma_wait3A = tpu.memref_slice %arg6[%rem3A_10] : memref<6x!tpu.dma_semaphore, #tpu.memory_space<semaphore_mem>> -> memref<1x!tpu.dma_semaphore, #tpu.memory_space<semaphore_mem>>
      %dma_wait3A_11 = tpu.memref_squeeze %dma_wait3A : memref<1x!tpu.dma_semaphore, #tpu.memory_space<semaphore_mem>> -> memref<!tpu.dma_semaphore, #tpu.memory_space<semaphore_mem>>
      %dma_wait3A_12 = arith.constant 0 : i32
      %dma_wait3A_13 = arith.constant 0 : i32
      %dma_wait3A_14 = tpu.memref_slice %arg4[%rem3A_10, %dma_wait3A_12, %dma_wait3A_13] : memref<6x1024x1024xf32, #tpu.memory_space<vmem>> -> memref<1x1024x1024xf32, #tpu.memory_space<vmem>>
      %dma_wait3A_15 = tpu.memref_squeeze %dma_wait3A_14 : memref<1x1024x1024xf32, #tpu.memory_space<vmem>> -> memref<1024x1024xf32, #tpu.memory_space<vmem>>
      %dma_wait3A_16 = arith.constant 0 : i32
      %dma_wait3A_17 = arith.constant 0 : i32
      %dma_wait3A_18 = tpu.memref_slice %arg2[%arg0, %dma_wait3A_16, %dma_wait3A_17] : memref<64x1024x1024xf32, #tpu.memory_space<any>> -> memref<1x1024x1024xf32, #tpu.memory_space<any>>
      %dma_wait3A_19 = tpu.memref_squeeze %dma_wait3A_18 : memref<1x1024x1024xf32, #tpu.memory_space<any>> -> memref<1024x1024xf32, #tpu.memory_space<any>>
      tpu.wait_dma2 semaphore(%dma_wait3A_11 : memref<!tpu.dma_semaphore, #tpu.memory_space<semaphore_mem>>) src(%dma_wait3A_19 : memref<1024x1024xf32, #tpu.memory_space<any>>) dst(%dma_wait3A_15 : memref<1024x1024xf32, #tpu.memory_space<vmem>>)
      %dma_wait3A_20 = tpu.memref_slice %arg7[%rem3A_10] : memref<6x!tpu.dma_semaphore, #tpu.memory_space<semaphore_mem>> -> memref<1x!tpu.dma_semaphore, #tpu.memory_space<semaphore_mem>>
      %dma_wait3A_21 = tpu.memref_squeeze %dma_wait3A_20 : memref<1x!tpu.dma_semaphore, #tpu.memory_space<semaphore_mem>> -> memref<!tpu.dma_semaphore, #tpu.memory_space<semaphore_mem>>
      %dma_wait3A_22 = arith.constant 0 : i32
      %dma_wait3A_23 = arith.constant 0 : i32
      %dma_wait3A_24 = tpu.memref_slice %arg5[%rem3A_10, %dma_wait3A_22, %dma_wait3A_23] : memref<6x32x1024xf32, #tpu.memory_space<vmem>> -> memref<1x32x1024xf32, #tpu.memory_space<vmem>>
      %dma_wait3A_25 = tpu.memref_squeeze %dma_wait3A_24 : memref<1x32x1024xf32, #tpu.memory_space<vmem>> -> memref<32x1024xf32, #tpu.memory_space<vmem>>
      %dma_wait3A_26 = arith.constant 0 : i32
      %dma_wait3A_27 = arith.constant 0 : i32
      %dma_wait3A_28 = tpu.memref_slice %arg1[%arg0, %dma_wait3A_26, %dma_wait3A_27] : memref<64x32x1024xf32, #tpu.memory_space<any>> -> memref<1x32x1024xf32, #tpu.memory_space<any>>
      %dma_wait3A_29 = tpu.memref_squeeze %dma_wait3A_28 : memref<1x32x1024xf32, #tpu.memory_space<any>> -> memref<32x1024xf32, #tpu.memory_space<any>>
      tpu.wait_dma2 semaphore(%dma_wait3A_21 : memref<!tpu.dma_semaphore, #tpu.memory_space<semaphore_mem>>) src(%dma_wait3A_29 : memref<32x1024xf32, #tpu.memory_space<any>>) dst(%dma_wait3A_25 : memref<32x1024xf32, #tpu.memory_space<vmem>>)
    } else {
    }
    return
  }
  func.func @transform_2(%arg0: i32) -> (i32, i32, i32) {
    %sub3A = arith.constant 1 : i32
    %sub3A_0 = arith.subi %arg0, %sub3A : i32
    %max3A = arith.constant 0 : i32
    %max3A_1 = arith.maxsi %sub3A_0, %max3A : i32
    %c0_i32 = arith.constant 0 : i32
    %c0_i32_2 = arith.constant 0 : i32
    %c0_i32_3 = arith.constant 0 : i32
    return %max3A_1, %c0_i32, %c0_i32_2 : i32, i32, i32
  }
}

</mosaic_0001>

<sc_bundles>
// kernel: kernel.4.cloned.1.call-start
scs
__scs_entry_jumppad:
0x0: {  	(pc) =	sbr.rel $0x88, $3  }
0x1: {  	(tag) =	ssettag $0x0;
	lr =	simm.s32 $0x1  }
0x2: {  	[smem:$0x3F9E] =	sst lr;
	_ =	strace $0xD0000000  }
0x3: {  	_ = 	snop  }
0x4: {  	_ = 	snop  }
0x5: {  	_ = 	snop  }
0x6: {  	_ = 	snop  }
0x7: {  	_ = 	snop  }
__scs_overlays_trampoline_lowered:
0x8: {  	[smem:$0x3FAD] =	sst s0  }
0x9: {  	[smem:$0x3FAE] =	sst s1  }
0xa: {  	[smem:$0x3FAF] =	sst s2  }
0xb: {  	[smem:$0x3FB0] =	sst s3  }
0xc: {  	[smem:$0x3FB1] =	sst s4  }
0xd: {  	[smem:$0x3FB2] =	sst s5  }
0xe: {  	[smem:$0x3FB3] =	sst s6  }
0xf: {  	[smem:$0x3FB4] =	sst s7  }
0x10: {  	[smem:$0x3FB5] =	sst s8  }
0x11: {  	[smem:$0x3FB6] =	sst s9;
	s0 =	simm.s32 @!p0 $0x0  }
0x12: {  	s1 =	sld [smem:$0x3F9C];
	s0 =	simm.s32 @p0 $0x1  }
0x13: {  	[smem:$0x3FB7] =	sst s0;
	s0 =	simm.s32 @!p1 $0x0  }
0x14: {  	s2 =	sld [smem:$0x3F9B];
	s0 =	simm.s32 @p1 $0x1  }
0x15: {  	[smem:$0x3FB8] =	sst s0;
	s0 =	simm.s32 @!p2 $0x0  }
0x16: {  	s3 =	sld [smem:$0x3FDB];
	s0 =	simm.s32 @p2 $0x1  }
0x17: {  	s4 =	simm.s32 $0x1BF5;
	[smem:$0x3FBA] =	sst s0  }
0x18: {  	s0 =	sld [smem:$0x3F9D];
	_ =	swait.ge [sflag:s4], $0x0  }
0x19: {  	s7 =	sld [smem:$0x3F9E]  }
0x1a: {  	s8 =	sadd.s32 $0xFFFFE003, lr  }
0x1b: {  	s9 =	sadd.s32 $0xFFFFFEF7, lr;
	s5 =	simm.s32 $0xFFFFFFFF;
	p2 =	slt.u32 s8, $0xFFFFF086  }
0x1c: {  	p1 =	slt.u32 s9, $0xF7A;
	s5 =	simm.s32 @!p2 $0x0  }
0x1d: {  	s5 =	simm.s32 @p1 $0x1;
	p0 =	seq.s32 s7, s2  }
0x1e: {  	s7 =	smul.u32 @!p0 $0xF7A, s2;
	p2 =	seq.s32 @!p0 s5, $0x0  }
0x1f: {  	s9 =	smul.u32 $0xF7A, s1;
	s8 =	simm.s32 @!p0 $0x1BF5;
	p2 =	por !p2, p0  }
0x20: {  	[sflag:s8] =	ssyncset.s32 @!p0 $0xFFFFF086;
	s6 =	sadd.s32 @!p0 s3, s7;
	s7 =	simm.s32 @!p0 $0x108  }
0x21: {  	s3 =	sadd.s32 s3, s9;
	s6 =	sadd.s32 @!p0 $0x88, s6;
	s7 =	simm.s32 @p2 $0x1082  }
0x22: {  	[simem:s7], [sflag:s8] =	dma.local @!p0 [hbm:s6], $0xF7A  }
0x23: {  	s9 =	sor.u32 $0xD0000000, s2;
	s6 =	simm.s32 $0x108;
	_ =	swait.ge @!p0 [sflag:s8], $0x0  }
0x24: {  	s3 =	sadd.s32 $0x88, s3;
	s6 =	simm.s32 @!p1 $0x1082;
	[sflag:s4] =	ssyncset.s32 $0xFFFFF086  }
0x25: {  	[simem:s6], [sflag:s4] =	dma.local [hbm:s3], $0xF7A  }
0x26: {  	[smem:$0x3F9E] =	sst s1;
	(tag) =	ssettag s2;
	_ =	strace s9  }
0x27: {  	s1 =	sld [smem:$0x3FAE]  }
0x28: {  	s2 =	sld [smem:$0x3FAF]  }
0x29: {  	s4 =	sld [smem:$0x3FB1]  }
0x2a: {  	p0 =	seq.s32 s5, $0x0;
	s5 =	sld [smem:$0x3FB2]  }
0x2b: {  	s6 =	sld [smem:$0x3FB3]  }
0x2c: {  	s7 =	sld [smem:$0x3FB4]  }
0x2d: {  	s3 =	simm.s32 $0x108;
	s8 =	sld [smem:$0x3FB5]  }
0x2e: {  	s3 =	simm.s32 @!p0 $0x1082;
	s9 =	sld [smem:$0x3FB6]  }
0x2f: {  	lr =	sadd.s32 s0, s3;
	s0 =	sld [smem:$0x3FAD]  }
0x30: {  	s3 =	sld [smem:$0x3FB0]  }
0x31: {  	[smem:$0x3FB9] =	sst s10  }
0x32: {  	s10 =	sld [smem:$0x3FB7];
	_ =	sdelay $0x3  }
0x33: {  	p0 =	seq.s32 s10, $0x1;
	s10 =	sld [smem:$0x3FB9];
	_ =	sdelay $0x3  }
0x34: {  	[smem:$0x3FB9] =	sst s10  }
0x35: {  	s10 =	sld [smem:$0x3FB8];
	_ =	sdelay $0x3  }
0x36: {  	p1 =	seq.s32 s10, $0x1;
	s10 =	sld [smem:$0x3FB9];
	_ =	sdelay $0x3  }
0x37: {  	[smem:$0x3FB9] =	sst s10  }
0x38: {  	s10 =	sld [smem:$0x3FBA]  }
0x39: {  	_ = 	snop;
	(pc) =	sbr.ind lr, $3  }
0x3a: {  	_ = 	snop  }
0x3b: {  	_ = 	snop  }
0x3c: {  	p2 =	seq.s32 s10, $0x1;
	s10 =	sld [smem:$0x3FB9]  }
0x3d: {  	_ =	shalt  }
0x3e: {  	_ =	shalt  }
0x3f: {  	_ =	shalt  }
0x40: {  	_ =	shalt  }
0x41: {  	_ =	shalt  }
0x42: {  	_ =	shalt  }
0x43: {  	_ =	shalt  }
0x44: {  	_ =	shalt  }
0x45: {  	_ =	shalt  }
0x46: {  	_ =	shalt  }
0x47: {  	_ =	shalt  }
0x48: {  	_ =	shalt  }
0x49: {  	_ =	shalt  }
0x4a: {  	_ =	shalt  }
0x4b: {  	_ =	shalt  }
0x4c: {  	_ =	shalt  }
0x4d: {  	_ =	shalt  }
0x4e: {  	_ =	shalt  }
0x4f: {  	_ =	shalt  }
0x50: {  	_ =	shalt  }
0x51: {  	_ =	shalt  }
0x52: {  	_ =	shalt  }
0x53: {  	_ =	shalt  }
0x54: {  	_ =	shalt  }
0x55: {  	_ =	shalt  }
0x56: {  	_ =	shalt  }
0x57: {  	_ =	shalt  }
0x58: {  	_ =	shalt  }
0x59: {  	_ =	shalt  }
0x5a: {  	_ =	shalt  }
0x5b: {  	_ =	shalt  }
0x5c: {  	_ =	shalt  }
0x5d: {  	_ =	shalt  }
0x5e: {  	_ =	shalt  }
0x5f: {  	_ =	shalt  }
0x60: {  	_ =	shalt  }
0x61: {  	_ =	shalt  }
0x62: {  	_ =	shalt  }
0x63: {  	_ =	shalt  }
0x64: {  	_ =	shalt  }
0x65: {  	_ =	shalt  }
0x66: {  	_ =	shalt  }
0x67: {  	_ =	shalt  }
0x68: {  	_ =	shalt  }
0x69: {  	_ =	shalt  }
0x6a: {  	_ =	shalt  }
0x6b: {  	_ =	shalt  }
0x6c: {  	_ =	shalt  }
0x6d: {  	_ =	shalt  }
0x6e: {  	_ =	shalt  }
0x6f: {  	_ =	shalt  }
0x70: {  	_ =	shalt  }
0x71: {  	_ =	shalt  }
0x72: {  	_ =	shalt  }
0x73: {  	_ =	shalt  }
0x74: {  	_ =	shalt  }
0x75: {  	_ =	shalt  }
0x76: {  	_ =	shalt  }
0x77: {  	_ =	shalt  }
0x78: {  	_ =	shalt  }
0x79: {  	_ =	shalt  }
0x7a: {  	_ =	shalt  }
0x7b: {  	_ =	shalt  }
0x7c: {  	_ =	shalt  }
0x7d: {  	_ =	shalt  }
0x7e: {  	_ =	shalt  }
0x7f: {  	_ =	shalt  }
0x80: {  	_ =	shalt  }
0x81: {  	_ =	shalt  }
0x82: {  	_ =	shalt  }
0x83: {  	_ =	shalt  }
0x84: {  	_ =	shalt  }
0x85: {  	_ =	shalt  }
0x86: {  	_ =	shalt  }
0x87: {  	_ =	shalt  }
.Lfunc_end0:
.L_simem_size_0:
called_computation_lowered:
.L_overlay_start_0:
0x88: {  	s2 =	sld [smem:$0x3FD9]  }
0x89: {  	s3 =	sld [smem:$0x3FFE];
	_ =	sdelay $0x1  }
0x8a: {  	s1 =	srdreg.scid  }
0x8b: {  	s0 =	sand.u32 $0x1, s1  }
0x8c: {  	s17 =	sshll.u32 s0, $0xA;
	s2 =	sadd.s32 s3, s2  }
0x8d: {  	s2 =	sadd.s32 s2, s17  }
0x8e: {  	[smem:$0x3FC5] =	sst s2  }
0x8f: {  	_ = 	snop  }
0x90: {  	s2 =	sld [smem:$0x3FC9]  }
0x91: {  	s18 =	sld [smem:$0x3FD0];
	(tm) =	ssettm $0x1  }
0x92: {  	s4 =	sld [smem:$0x3FFB];
	_ =	sdelay $0x3  }
0x93: {  	_ =	strace s4  }
0x94: {  	s4 =	sld [smem:$0x3FFC];
	_ =	sdelay $0x3  }
0x95: {  	_ =	strace s4  }
0x96: {  	s4 =	sld [smem:$0x3FFD];
	_ =	sdelay $0x3  }
0x97: {  	_ =	strace s4  }
0x98: {  	_ =	strace $0x8FFFFFFF  }
0x99: {  	s19 =	sld [smem:$0x3FDB];
	_ =	sdelay $0x1  }
0x9a: {  	s5 =	simm.s32 $_scs_section_size  }
0x9b: {  	s6 =	simm.s32 $_size__tile_overlayer_lowered;
	s7 =	simm.s32 $_tile_overlayer_lowered  }
0x9c: {  	s22 =	simm.s32 $0x1BFF;
	s21 =	sshll.u32 s7, $0x1;
	s4 =	sadd.s32 s5, s19  }
0x9d: {  	s8 =	simm.s32 $0x0;
	s20 =	sshll.u32 s6, $0x1;
	s6 =	sadd.s32 s21, s4  }
0x9e: {  	[timem:s8], [sflag:s22] =	dma.local [hbm:s6], s20  }
0x9f: {  	_ =	swait.ge [sflag:s22], s20  }
0xa0: {  	s5 =	ssub.s32 $0x0, s20;
	[sflag:s22] =	ssyncset.done $0x0  }
0xa1: {  	[sflag:s22] =	ssyncadd.s32 s5;
	_ =	sdelay $0x1  }
0xa2: {  	s23 =	simm.s32 $0x1B8B  }
0xa3: {  	_ =	swait.ge [sflag:s23], $0x1  }
0xa4: {  	[sflag:s23] =	ssyncset.done $0x0  }
0xa5: {  	s25 =	simm.s32 $0x1B8E;
	s24 =	sld [smem:$0x3FFE];
	[sflag:s23] =	ssyncadd.s32 $0xFFFFFFFF  }
0xa6: {  	s26 =	simm.s32 $execute0_lowered;
	[smem:$0x3FD2] =	sst s25  }
0xa7: {  	s6 =	sshll.u32 s26, $0x1;
	_ =	strace $0x80000046;
	[dreg:$0x1] =	wrdreg $0xFFFFFFFF  }
0xa8: {  	s28 =	simm.s32 $_size_execute0_lowered;
	s4 =	sadd.s32 s4, s6;
	[dreg:$0x0] =	wrdreg $0x0  }
0xa9: {  	s6 =	sshll.u32 s28, $0x1;
	[dreg:$0x2] =	wrdreg s4  }
0xaa: {  	[dreg:$0x3] =	wrdreg s6  }
0xab: {  	[dreg:$0x4] =	wrdreg $0xC0  }
0xac: {  	_ =	task [dreg:s8], $0x5FFFF  }
0xad: {  	[dreg:$0x1] =	wrdreg $0xFFFFFFFF  }
0xae: {  	[dreg:$0x0] =	wrdreg $0x60  }
0xaf: {  	[dreg:$0x2] =	wrdreg s2  }
0xb0: {  	[dreg:$0x3] =	wrdreg s24  }
0xb1: {  	[dreg:$0x4] =	wrdreg s18  }
0xb2: {  	[dreg:$0x5] =	wrdreg $0x9  }
0xb3: {  	_ =	task.clear_ibuf [dreg:s8], $0x6FFFF;
	_ =	strace $0x90000046  }
0xb4: {  	s29 =	simm.s32 $0x9;
	_ =	strace $0x80000048  }
0xb5: {  	_ =	swait.ge [sflag:s29], $0x1  }
0xb6: {  	[sflag:s29] =	ssyncadd.s32 $0xFFFFFFFF  }
0xb7: {  	_ =	strace $0x90000048  }
0xb8: {  	_ =	sfence  }
0xb9: {  	s30 =	sld [smem:$0x0];
	_ =	sdelay $0x2  }
0xba: {  	s31 =	sshll.u32 s1, $0xD;
	s1 =	sshrl.u32 s1, $0x2  }
0xbb: {  	s3 =	sand.u32 $0x4000, s31;
	s1 =	sadd.s32 s1, s30  }
0xbc: {  	s0 =	sor.u32 s3, s0;
	s1 =	sshll.u32 s1, $0x11  }
0xbd: {  	s0 =	sor.u32 s1, s0  }
0xbe: {  	s0 =	sadd.s32 $0x8F2B, s0  }
0xbf: {  	[sflag:s0] =	ssyncadd.remote.s32 $0x1  }
0xc0: {  	_ =	sfence.sel $0xFFFF  }
0xc1: {  	[dreg:$0x0] =	wrdreg $0xFFFFFFFF;
	(pc) =	sbr.abs _section_cstart, $3  }
0xc2: {  	[dreg:$0x1] =	wrdreg $0xFFFFFFFF  }
0xc3: {  	_ =	task.clear_ibuf [dreg:s8], $0x2FFFF;
	_ =	strace $0x9FFFFFFF  }
0xc4: {  	(tm) =	ssettm $0x7FFFFFFF  }
0xc5: {  	_ =	shalt  }
tec
execute0_lowered:
.L_overlay_start_1:
0x0: {  	(tag) =	ssettag $0x1  }
0x1: {  	s2 =	srdreg.scid;
	s1 =	rddreg [dreg:$0x0]  }
0x2: {  	s0 =	stileid.u32;
	s4 =	rddreg [dreg:$0x1];
	s2 =	sand.u32 $0x1, s2  }
0x3: {  	s6 =	rddreg [dreg:$0x2];
	s3 =	sshll.u32 s0, $0x7;
	s5 =	sshll.u32 s2, $0x6  }
0x4: {  	s14 =	simm.s32 $0x880;
	s5 =	sor.u32 s5, s3;
	s3 =	simm.s32 $0x0  }
0x5: {  	s15 =	simm.s32 $0x1080;
	s16 =	simm.s32 $0x1880;
	[smem:$0x7FF] =	sst s3  }
0x6: {  	s17 =	simm.s32 $0x2080;
	_ =	strace $0x80000047;
	[dreg:$0x6] =	wrdreg s14  }
0x7: {  	s18 =	simm.s32 $0x2880;
	s19 =	simm.s32 $0x3080;
	[dreg:$0x7] =	wrdreg s15  }
0x8: {  	s20 =	simm.s32 $0x3880;
	s21 =	simm.s32 $0x4080;
	[dreg:$0x8] =	wrdreg s16  }
0x9: {  	s23 =	simm.s32 $0x4880;
	s24 =	simm.s32 $0x5080;
	[dreg:$0x9] =	wrdreg s17  }
0xa: {  	s25 =	simm.s32 $0x5880;
	s8 =	simm.s32 $0x6080;
	[dreg:$0xa] =	wrdreg s18  }
0xb: {  	s9 =	simm.s32 $0x6880;
	s26 =	simm.s32 $0x7080;
	[dreg:$0xb] =	wrdreg s19  }
0xc: {  	s10 =	simm.s32 $0x80;
	s12 =	simm.s32 $0x8080;
	[dreg:$0xc] =	wrdreg s20  }
0xd: {  	s13 =	simm.s32 $0x8880;
	s28 =	simm.s32 $0xF880;
	[dreg:$0xd] =	wrdreg s21  }
0xe: {  	s29 =	simm.s32 $0x1;
	s30 =	simm.s32 $0x2;
	[dreg:$0xe] =	wrdreg s23  }
0xf: {  	s31 =	simm.s32 $0x3;
	s2 =	ssub.s32 $0x2, s2;
	[dreg:$0xf] =	wrdreg s24  }
0x10: {  	s22 =	sshrl.u32 s2, $0x1;
	s7 =	sshrl.u32 s5, $0x3;
	[dreg:$0x10] =	wrdreg s25  }
0x11: {  	s5 =	sshll.u32 s5, $0x7;
	s2 =	ssub.s32 s2, s22;
	[dreg:$0x11] =	wrdreg s8  }
0x12: {  	s22 =	simm.s32 $0xD080;
	s4 =	sadd.s32 s7, s4;
	[dreg:$0x12] =	wrdreg s9  }
0x13: {  	s8 =	smax.u32 s2, $0x1;
	s9 =	simm.s32 $0x5;
	[dreg:$0x13] =	wrdreg s26  }
0x14: {  	s14 =	simm.s32 $0x9080;
	s15 =	simm.s32 $0x9880;
	s16 =	simm.s32 $0xA080  }
0x15: {  	s17 =	simm.s32 $0xA880;
	s18 =	simm.s32 $0xB080;
	s19 =	simm.s32 $0xB880  }
0x16: {  	s20 =	simm.s32 $0xC080;
	s21 =	simm.s32 $0xC880;
	s23 =	simm.s32 $0xD880  }
0x17: {  	s24 =	simm.s32 $0xE080;
	s25 =	simm.s32 $0xE880;
	s26 =	simm.s32 $0xF080  }
0x18: {  	v2 =	vlaneseq.u32;
	s2 =	simm.s32 $0x4;
	s7 =	sadd.s32 $0x600, s4;
	s4 =	sadd.s32 s6, s5  }
0x19: {  	vm0 =	vmmov $0xffff;
	v1 =	vshrl.u32 v2, $0x3;
	s6 =	sadd.s32 $0x200, s1;
	[dreg:$0x4] =	wrdreg s7;
	s5 =	sadd.s32 $0x1000, s4  }
0x1a: {  	v0 =	vand.u32 $0x7, v2;
	v2 =	vor.u32 $0x8, v2;
	v1 =	vmul.u32 $0x8, v1;
	s7 =	sadd.s32 $0x300, s1;
	[dreg:$0x5] =	wrdreg s5;
	s5 =	sadd.s32 $0x100, s1  }
.LBB2_1:
0x1b: {  	s0 =	rddreg [dreg:$0x4]  }
0x1c: {  	[tilespmem:s3], [sflag:$0x5] =	stream.linear.gather [hbm4b:s0+s3], $0x40, $0x38;
	[tilespmem:$0x10080] =	vst v63  }
0x1d: {  	_ =	swait.ge [sflag:s9], $0x40  }
0x1e: {  	[sflag:s9] =	ssyncset.done $0x0  }
0x1f: {  	[sflag:s9] =	ssyncadd.s32 $0xFFFFFFC0  }
0x20: {  	v3 =	vld [tilespmem:$0x0];
	_ =	sdelay $0x4  }
0x21: {  	v4 =	vshll.u32 v3, $0x3  }
0x22: {  	v3 =	vand.u32 $0x7, v3;
	v4 =	vand.u32 $0xFFFFFFC0, v4  }
0x23: {  	v3 =	vor.u32 v3, v4  }
0x24: {  	v4 =	vperm.xlane v3, v0;
	_ =	sdelay $0x1  }
0x25: {  	v4 =	vadd.s32 v1, v4;
	_ =	sdelay $0x4  }
0x26: {  	[tilespmem:s10], [sflag:$0x1] =	stream.indirect_vreg.gather [hbm4b:s1+s3], $0x80, v4, vm0, $0xb8;
	[tilespmem:$0x10080] =	vst v63  }
0x27: {  	s0 =	rddreg [dreg:$0x6];
	v3 =	vperm.xlane v3, v2  }
0x28: {  	[tilespmem:s0], [sflag:$0x1] =	stream.indirect_vreg.gather [hbm4b:s5+s3], $0x80, v4, vm0, $0xb8;
	[tilespmem:$0x10080] =	vst v63  }
0x29: {  	s11 =	rddreg [dreg:$0x7];
	v3 =	vadd.s32 v1, v3  }
0x2a: {  	[tilespmem:s11], [sflag:$0x1] =	stream.indirect_vreg.gather [hbm4b:s6+s3], $0x80, v4, vm0, $0xb8;
	[tilespmem:$0x10080] =	vst v63  }
0x2b: {  	s0 =	rddreg [dreg:$0x8]  }
0x2c: {  	[tilespmem:s0], [sflag:$0x1] =	stream.indirect_vreg.gather [hbm4b:s7+s3], $0x80, v4, vm0, $0xb8;
	[tilespmem:$0x10080] =	vst v63  }
0x2d: {  	s11 =	rddreg [dreg:$0x9]  }
0x2e: {  	[tilespmem:s11], [sflag:$0x1] =	stream.indirect_vreg.gather [hbm4b:s1+s3], $0x80, v3, vm0, $0xb8;
	[tilespmem:$0x10080] =	vst v63  }
0x2f: {  	s0 =	rddreg [dreg:$0xa]  }
0x30: {  	[tilespmem:s0], [sflag:$0x1] =	stream.indirect_vreg.gather [hbm4b:s5+s3], $0x80, v3, vm0, $0xb8;
	[tilespmem:$0x10080] =	vst v63  }
0x31: {  	s11 =	rddreg [dreg:$0xb]  }
0x32: {  	[tilespmem:s11], [sflag:$0x1] =	stream.indirect_vreg.gather [hbm4b:s6+s3], $0x80, v3, vm0, $0xb8;
	[tilespmem:$0x10080] =	vst v63  }
0x33: {  	s0 =	rddreg [dreg:$0xc]  }
0x34: {  	[tilespmem:s0], [sflag:$0x1] =	stream.indirect_vreg.gather [hbm4b:s7+s3], $0x80, v3, vm0, $0xb8;
	[tilespmem:$0x10080] =	vst v63  }
0x35: {  	v3 =	vld [tilespmem:$0x10];
	_ =	sdelay $0x4  }
0x36: {  	v61 =	vshll.u32 v3, $0x3  }
0x37: {  	v3 =	vand.u32 $0x7, v3;
	v4 =	vand.u32 $0xFFFFFFC0, v61  }
0x38: {  	v3 =	vor.u32 v3, v4  }
0x39: {  	v4 =	vperm.xlane v3, v0;
	_ =	sdelay $0x1  }
0x3a: {  	v4 =	vadd.s32 v1, v4;
	_ =	sdelay $0x3  }
0x3b: {  	s0 =	rddreg [dreg:$0xd]  }
0x3c: {  	[tilespmem:s0], [sflag:$0x1] =	stream.indirect_vreg.gather [hbm4b:s1+s3], $0x80, v4, vm0, $0xb8;
	[tilespmem:$0x10080] =	vst v63  }
0x3d: {  	s11 =	rddreg [dreg:$0xe];
	v3 =	vperm.xlane v3, v2  }
0x3e: {  	[tilespmem:s11], [sflag:$0x1] =	stream.indirect_vreg.gather [hbm4b:s5+s3], $0x80, v4, vm0, $0xb8;
	[tilespmem:$0x10080] =	vst v63  }
0x3f: {  	v3 =	vadd.s32 v1, v3;
	s0 =	rddreg [dreg:$0xf]  }
0x40: {  	[tilespmem:s0], [sflag:$0x1] =	stream.indirect_vreg.gather [hbm4b:s6+s3], $0x80, v4, vm0, $0xb8;
	[tilespmem:$0x10080] =	vst v63  }
0x41: {  	s11 =	rddreg [dreg:$0x10]  }
0x42: {  	[tilespmem:s11], [sflag:$0x1] =	stream.indirect_vreg.gather [hbm4b:s7+s3], $0x80, v4, vm0, $0xb8;
	[tilespmem:$0x10080] =	vst v63  }
0x43: {  	s0 =	rddreg [dreg:$0x11]  }
0x44: {  	[tilespmem:s0], [sflag:$0x1] =	stream.indirect_vreg.gather [hbm4b:s1+s3], $0x80, v3, vm0, $0xb8;
	[tilespmem:$0x10080] =	vst v63  }
0x45: {  	s11 =	rddreg [dreg:$0x12]  }
0x46: {  	[tilespmem:s11], [sflag:$0x1] =	stream.indirect_vreg.gather [hbm4b:s5+s3], $0x80, v3, vm0, $0xb8;
	[tilespmem:$0x10080] =	vst v63  }
0x47: {  	s0 =	rddreg [dreg:$0x13]  }
0x48: {  	[tilespmem:s0], [sflag:$0x1] =	stream.indirect_vreg.gather [hbm4b:s6+s3], $0x80, v3, vm0, $0xb8;
	[tilespmem:$0x10080] =	vst v63  }
0x49: {  	s11 =	simm.s32 $0x7880  }
0x4a: {  	[tilespmem:s11], [sflag:$0x1] =	stream.indirect_vreg.gather [hbm4b:s7+s3], $0x80, v3, vm0, $0xb8;
	[tilespmem:$0x10080] =	vst v63  }
0x4b: {  	v3 =	vld [tilespmem:$0x20];
	_ =	sdelay $0x4  }
0x4c: {  	v62 =	vshll.u32 v3, $0x3  }
0x4d: {  	v3 =	vand.u32 $0x7, v3;
	v4 =	vand.u32 $0xFFFFFFC0, v62  }
0x4e: {  	v3 =	vor.u32 v3, v4  }
0x4f: {  	v4 =	vperm.xlane v3, v0;
	_ =	sdelay $0x1  }
0x50: {  	v4 =	vadd.s32 v1, v4;
	_ =	sdelay $0x4  }
0x51: {  	[tilespmem:s12], [sflag:$0x2] =	stream.indirect_vreg.gather [hbm4b:s1+s3], $0x80, v4, vm0, $0xb8;
	[tilespmem:$0x10080] =	vst v63  }
0x52: {  	v3 =	vperm.xlane v3, v2  }
0x53: {  	[tilespmem:s13], [sflag:$0x2] =	stream.indirect_vreg.gather [hbm4b:s5+s3], $0x80, v4, vm0, $0xb8;
	[tilespmem:$0x10080] =	vst v63  }
0x54: {  	v3 =	vadd.s32 v1, v3  }
0x55: {  	[tilespmem:s14], [sflag:$0x2] =	stream.indirect_vreg.gather [hbm4b:s6+s3], $0x80, v4, vm0, $0xb8;
	[tilespmem:$0x10080] =	vst v63  }
0x56: {  	_ = 	snop  }
0x57: {  	[tilespmem:s15], [sflag:$0x2] =	stream.indirect_vreg.gather [hbm4b:s7+s3], $0x80, v4, vm0, $0xb8;
	[tilespmem:$0x10080] =	vst v63  }
0x58: {  	_ = 	snop  }
0x59: {  	[tilespmem:s16], [sflag:$0x2] =	stream.indirect_vreg.gather [hbm4b:s1+s3], $0x80, v3, vm0, $0xb8;
	[tilespmem:$0x10080] =	vst v63  }
0x5a: {  	_ = 	snop  }
0x5b: {  	[tilespmem:s17], [sflag:$0x2] =	stream.indirect_vreg.gather [hbm4b:s5+s3], $0x80, v3, vm0, $0xb8;
	[tilespmem:$0x10080] =	vst v63  }
0x5c: {  	_ = 	snop  }
0x5d: {  	[tilespmem:s18], [sflag:$0x2] =	stream.indirect_vreg.gather [hbm4b:s6+s3], $0x80, v3, vm0, $0xb8;
	[tilespmem:$0x10080] =	vst v63  }
0x5e: {  	_ = 	snop  }
0x5f: {  	[tilespmem:s19], [sflag:$0x2] =	stream.indirect_vreg.gather [hbm4b:s7+s3], $0x80, v3, vm0, $0xb8;
	[tilespmem:$0x10080] =	vst v63  }
0x60: {  	v3 =	vld [tilespmem:$0x30];
	_ =	sdelay $0x4  }
0x61: {  	v63 =	vshll.u32 v3, $0x3  }
0x62: {  	v3 =	vand.u32 $0x7, v3;
	v4 =	vand.u32 $0xFFFFFFC0, v63  }
0x63: {  	v3 =	vor.u32 v3, v4  }
0x64: {  	v4 =	vperm.xlane v3, v0;
	_ =	sdelay $0x1  }
0x65: {  	v4 =	vadd.s32 v1, v4;
	_ =	sdelay $0x4  }
0x66: {  	[tilespmem:s20], [sflag:$0x2] =	stream.indirect_vreg.gather [hbm4b:s1+s3], $0x80, v4, vm0, $0xb8;
	[tilespmem:$0x10080] =	vst v63  }
0x67: {  	v3 =	vperm.xlane v3, v2  }
0x68: {  	[tilespmem:s21], [sflag:$0x2] =	stream.indirect_vreg.gather [hbm4b:s5+s3], $0x80, v4, vm0, $0xb8;
	[tilespmem:$0x10080] =	vst v63  }
0x69: {  	v3 =	vadd.s32 v1, v3  }
0x6a: {  	[tilespmem:s22], [sflag:$0x2] =	stream.indirect_vreg.gather [hbm4b:s6+s3], $0x80, v4, vm0, $0xb8;
	[tilespmem:$0x10080] =	vst v63  }
0x6b: {  	_ = 	snop  }
0x6c: {  	[tilespmem:s23], [sflag:$0x2] =	stream.indirect_vreg.gather [hbm4b:s7+s3], $0x80, v4, vm0, $0xb8;
	[tilespmem:$0x10080] =	vst v63  }
0x6d: {  	_ = 	snop  }
0x6e: {  	[tilespmem:s24], [sflag:$0x2] =	stream.indirect_vreg.gather [hbm4b:s1+s3], $0x80, v3, vm0, $0xb8;
	[tilespmem:$0x10080] =	vst v63  }
0x6f: {  	_ = 	snop  }
0x70: {  	[tilespmem:s25], [sflag:$0x2] =	stream.indirect_vreg.gather [hbm4b:s5+s3], $0x80, v3, vm0, $0xb8;
	[tilespmem:$0x10080] =	vst v63  }
0x71: {  	_ = 	snop  }
0x72: {  	[tilespmem:s26], [sflag:$0x2] =	stream.indirect_vreg.gather [hbm4b:s6+s3], $0x80, v3, vm0, $0xb8;
	[tilespmem:$0x10080] =	vst v63  }
0x73: {  	_ = 	snop  }
0x74: {  	[tilespmem:s28], [sflag:$0x2] =	stream.indirect_vreg.gather [hbm4b:s7+s3], $0x80, v3, vm0, $0xb8;
	[tilespmem:$0x10080] =	vst v63  }
0x75: {  	_ =	swait.ge [sflag:s29], $0x8000  }
0x76: {  	[sflag:s29] =	ssyncset.done $0x0  }
0x77: {  	[sflag:s29] =	ssyncadd.s32 $0xFFFF8000  }
0x78: {  	[hbm4b:s4+s3] =	stream.linear.scatter [tilespmem:s10], [sflag:$0x3], $0x8000, $0x38;
	[tilespmem:$0x10080] =	vst v63  }
0x79: {  	_ =	swait.ge [sflag:s30], $0x8000  }
0x7a: {  	[sflag:s30] =	ssyncset.done $0x0  }
0x7b: {  	s11 =	rddreg [dreg:$0x5];
	[sflag:s30] =	ssyncadd.s32 $0xFFFF8000  }
0x7c: {  	[hbm4b:s11+s3] =	stream.linear.scatter [tilespmem:s12], [sflag:$0x4], $0x8000, $0x38;
	[tilespmem:$0x10080] =	vst v63  }
0x7d: {  	p0 =	sne.s32 s8, $0x1;
	_ =	swait.ge [sflag:s31], $0x8000  }
.Ltmp0:
0x7e: {  	[sflag:s31] =	ssyncset.done $0x0;
	(pc) =	sbr.rel @p0 .LBB2_1-.Ltmp0, $4  }
0x7f: {  	[sflag:s31] =	ssyncadd.s32 $0xFFFF8000  }
0x80: {  	_ =	swait.ge [sflag:s2], $0x8000  }
0x81: {  	[sflag:s2] =	ssyncset.done $0x0  }
0x82: {  	s8 =	sadd.s32 $0xFFFFFFFF, s8;
	[sflag:s2] =	ssyncadd.s32 $0xFFFF8000  }
0x83: {  	_ =	sfence.sel $0x180000  }
0x84: {  	[bflag:$0x0] =	sbarrier.arrive $0xFFFF  }
0x85: {  	_ =	strace $0x90000047  }
0x86: {  	s0 =	stileid.u32;
	[bflag:$0x2] =	sbarrier.arrive $0xFFFF  }
0x87: {  	p0 =	sne.s32 s0, $0x0;
	s0 =	rddreg [dreg:$0x3]  }
0x88: {  	s0 =	sadd.s32 @!p0 $0x100000, s0  }
0x89: {  	[sflag:s0] =	ssyncadd.tile.s32 @!p0 $0x1;
	_ =	shalt  }
.Lfunc_end2:
_tile_overlayer_lowered:
.L_overlay_start_2:
0x8a: {  	(tag) =	ssettag $0x2  }
0x8b: {  	s0 =	rddreg [dreg:$0x0];
	s2 =	stileid.u32  }
0x8c: {  	s1 =	rddreg [dreg:$0x1];
	p0 =	sne.s32 s2, $0x0  }
0x8d: {  	s3 =	rddreg [dreg:$0x2];
	[bflag:$0x3] =	sbarrier.arrive $0xFFFF;
	s2 =	simm.s32 @!p0 $0x1C05  }
0x8e: {  	[timem:s3], [sflag:s2] =	dma.local @!p0 [hbm:s0], s1  }
0x8f: {  	s0 =	simm.s32 @!p0 $0x5  }
0x90: {  	_ =	swait.ge @!p0 [sflag:s0], s1  }
0x91: {  	s1 =	ssub.s32 @!p0 $0x0, s1;
	[sflag:s0] =	ssyncset.done @!p0 $0x0  }
0x92: {  	[sflag:s0] =	ssyncadd.s32 @!p0 s1  }
0x93: {  	[bflag:$0x3] =	sbarrier.arrive $0xFFFF  }
0x94: {  	_ =	shalt  }

</sc_bundles>
